<compile_context>
chip_gen: v7x
topology: tpu7x:2x2x1
jax: 0.10.2.dev20260603
libtpu: 0.0.44.dev20260713+nightly
codegen_flags: <defaults>
</compile_context>

<pallas_src>
import functools

import jax
import jax.numpy as jnp
from jax import lax
from jax.experimental import pallas as pl
from jax.experimental.pallas import tpu as pltpu
from jax.experimental.pallas import tpu_sc as plsc

NUM_SEGMENTS = 10000
N_ATOMS = 320000
D_FEAT = 128
HIDDEN = 256
N_OUT = 128

NC = 2
NS = 16
NW = NC * NS
SC_ATOMS = 266240
PW = SC_ATOMS // NW
CHUNK = 128
N_CHUNKS = PW // CHUNK
TAIL = PW - N_CHUNKS * CHUNK
SEG_PER_TILE = 624
SEG_TAIL = NUM_SEGMENTS - NS * SEG_PER_TILE


def _sc_body(
    atoms_hbm, mem_hbm, zeros_hbm, out_hbm,
    idx0, idx1, abuf0, abuf1, tidx, tbuf, acc,
    semi0, sema0, semi1, sema1, sems0, sems1,
):
    c = lax.axis_index("c")
    s = lax.axis_index("s")
    w = s * NC + c
    row0 = pl.multiple_of(s * SEG_PER_TILE, 8)
    idx = (idx0, idx1)
    abuf = (abuf0, abuf1)
    semi = (semi0, semi1)
    sema = (sema0, sema1)
    sems = (sems0, sems1)

    def start_load(g, slot):
        base = pl.multiple_of(w * PW + g * CHUNK, 8)
        pltpu.async_copy(mem_hbm.at[pl.ds(base, CHUNK)], idx[slot], semi[slot])
        pltpu.async_copy(atoms_hbm.at[pl.ds(base, CHUNK)], abuf[slot], sema[slot])

    def wait_load(slot):
        pltpu.make_async_copy(mem_hbm.at[pl.ds(0, CHUNK)], idx[slot], semi[slot]).wait()
        pltpu.make_async_copy(atoms_hbm.at[pl.ds(0, CHUNK)], abuf[slot], sema[slot]).wait()

    def start_scatter(slot):
        pltpu.async_copy(abuf[slot], acc.at[idx[slot]], sems[slot], add=True)

    def wait_scatter(slot):
        pltpu.make_async_copy(abuf[slot], acc.at[idx[slot]], sems[slot]).wait()

    start_load(0, 0)
    start_load(1, 1)

    pltpu.sync_copy(zeros_hbm, acc.at[pl.ds(row0, SEG_PER_TILE)])

    @pl.when(s == 0)
    def _zero_tail():
        pltpu.sync_copy(
            zeros_hbm.at[pl.ds(0, SEG_TAIL)],
            acc.at[pl.ds(NS * SEG_PER_TILE, SEG_TAIL)],
        )

    plsc.subcore_barrier()

    def step(t, carry):
        g0 = t * 2
        g1 = t * 2 + 1
        wait_load(0)
        pltpu.sync_copy(abuf0, acc.at[idx0], add=True)

        @pl.when(g0 + 2 < N_CHUNKS)
        def _next0():
            start_load(g0 + 2, 0)

        wait_load(1)
        pltpu.sync_copy(abuf1, acc.at[idx1], add=True)

        @pl.when(g1 + 2 < N_CHUNKS)
        def _next1():
            start_load(g1 + 2, 1)

        return carry

    lax.fori_loop(0, N_CHUNKS // 2, step, 0)

    if N_CHUNKS % 2 == 1:
        wait_load(0)
        pltpu.sync_copy(abuf0, acc.at[idx0], add=True)

    if TAIL > 0:
        tbase = pl.multiple_of(w * PW + N_CHUNKS * CHUNK, 8)
        pltpu.sync_copy(mem_hbm.at[pl.ds(tbase, TAIL)], tidx)
        pltpu.sync_copy(atoms_hbm.at[pl.ds(tbase, TAIL)], tbuf)
        pltpu.sync_copy(tbuf, acc.at[tidx], add=True)
    plsc.subcore_barrier()

    orow0 = pl.multiple_of(c * NUM_SEGMENTS + s * SEG_PER_TILE, 8)
    pltpu.sync_copy(
        acc.at[pl.ds(row0, SEG_PER_TILE)],
        out_hbm.at[pl.ds(orow0, SEG_PER_TILE)],
    )

    @pl.when(s == 0)
    def _flush_tail():
        otail = pl.multiple_of(c * NUM_SEGMENTS + NS * SEG_PER_TILE, 8)
        pltpu.sync_copy(
            acc.at[pl.ds(NS * SEG_PER_TILE, SEG_TAIL)],
            out_hbm.at[pl.ds(otail, SEG_TAIL)],
        )


@jax.jit
def _sc_segsum(atoms, mem_i32, zeros):
    mesh = plsc.VectorSubcoreMesh(
        core_axis_name="c", subcore_axis_name="s", num_cores=NC, num_subcores=NS
    )
    f = pl.kernel(
        _sc_body,
        out_type=jax.ShapeDtypeStruct((NC * NUM_SEGMENTS, D_FEAT), jnp.float32),
        mesh=mesh,
        scratch_types=[
            pltpu.VMEM((CHUNK,), jnp.int32),
            pltpu.VMEM((CHUNK,), jnp.int32),
            pltpu.VMEM((CHUNK, D_FEAT), jnp.float32),
            pltpu.VMEM((CHUNK, D_FEAT), jnp.float32),
            pltpu.VMEM((max(TAIL, 8),), jnp.int32),
            pltpu.VMEM((max(TAIL, 8), D_FEAT), jnp.float32),
            pltpu.VMEM_SHARED((NUM_SEGMENTS, D_FEAT), jnp.float32),
            pltpu.SemaphoreType.DMA,
            pltpu.SemaphoreType.DMA,
            pltpu.SemaphoreType.DMA,
            pltpu.SemaphoreType.DMA,
            pltpu.SemaphoreType.DMA,
            pltpu.SemaphoreType.DMA,
        ],
    )
    return f(atoms, mem_i32, zeros)


WIN = 256
N_WIN = 40
TC_BLK = 1024


def _tc_win_body(s_ref, atoms_hbm, mem_hbm, o_ref, abuf, mbuf, sem_a0, sem_m0, sem_a1, sem_m1):
    v = pl.program_id(0)
    lo = s_ref[v]
    hi = s_ref[v + 1]
    dn = (lo // 128) * 128
    nblocks = (hi - dn + TC_BLK - 1) // TC_BLK
    npairs = (nblocks + 1) // 2
    sem_a = (sem_a0, sem_a1)
    sem_m = (sem_m0, sem_m1)

    def blk_base(b):
        base = jnp.minimum(dn + b * TC_BLK, N_ATOMS - TC_BLK)
        return pl.multiple_of(base, 128)

    def start(b, slot):
        base = blk_base(b)
        pltpu.make_async_copy(
            atoms_hbm.at[pl.ds(base, TC_BLK)], abuf.at[slot], sem_a[slot]
        ).start()
        pltpu.make_async_copy(
            mem_hbm.at[pl.ds(base, TC_BLK)], mbuf.at[slot], sem_m[slot]
        ).start()

    def wait(slot):
        pltpu.make_async_copy(
            atoms_hbm.at[pl.ds(0, TC_BLK)], abuf.at[slot], sem_a[slot]
        ).wait()
        pltpu.make_async_copy(
            mem_hbm.at[pl.ds(0, TC_BLK)], mbuf.at[slot], sem_m[slot]
        ).wait()

    def compute(b, slot, acc):
        base = blk_base(b)
        rows = TC_BLK // 128
        gidx = (
            base
            + 128 * jax.lax.broadcasted_iota(jnp.int32, (rows, 128), 0)
            + jax.lax.broadcasted_iota(jnp.int32, (rows, 128), 1)
        )
        valid = (gidx >= jnp.maximum(lo, dn + b * TC_BLK)) & (gidx < hi)
        m2 = mbuf[slot].reshape(rows, 128)
        seg = v * WIN + jax.lax.broadcasted_iota(jnp.int32, (WIN, 1, 1), 0)
        oh = jnp.where(
            (m2[None, :, :] == seg) & valid[None, :, :], 1.0, 0.0
        ).astype(jnp.float32).reshape(WIN, TC_BLK)
        part = jax.lax.dot_general(
            oh, abuf[slot],
            dimension_numbers=(((1,), (0,)), ((), ())),
            preferred_element_type=jnp.float32,
        )
        return acc + part

    @pl.when(nblocks > 0)
    def _p0():
        start(0, 0)

    @pl.when(nblocks > 1)
    def _p1():
        start(1, 1)

    def body(t, acc):
        b0 = t * 2
        b1 = t * 2 + 1
        wait(0)
        acc = compute(b0, 0, acc)

        @pl.when(b0 + 2 < nblocks)
        def _n0():
            start(b0 + 2, 0)

        @pl.when(b1 < nblocks)
        def _w1():
            wait(1)

        acc = compute(b1, 1, acc)

        @pl.when(b1 + 2 < nblocks)
        def _n1():
            start(b1 + 2, 1)

        return acc

    acc0 = jnp.zeros((WIN, D_FEAT), jnp.float32)
    o_ref[...] = lax.fori_loop(0, npairs, body, acc0)


@jax.jit
def _tc_win_segsum(atoms, mem_i32, starts):
    return pl.pallas_call(
        _tc_win_body,
        grid=(N_WIN,),
        in_specs=[
            pl.BlockSpec(memory_space=pltpu.MemorySpace.SMEM),
            pl.BlockSpec(memory_space=pltpu.MemorySpace.HBM),
            pl.BlockSpec(memory_space=pltpu.MemorySpace.HBM),
        ],
        out_specs=pl.BlockSpec((WIN, D_FEAT), lambda v: (v, 0)),
        out_shape=jax.ShapeDtypeStruct((N_WIN * WIN, D_FEAT), jnp.float32),
        scratch_shapes=[
            pltpu.VMEM((2, TC_BLK, D_FEAT), jnp.float32),
            pltpu.VMEM((2, TC_BLK), jnp.int32),
            pltpu.SemaphoreType.DMA,
            pltpu.SemaphoreType.DMA,
            pltpu.SemaphoreType.DMA,
            pltpu.SemaphoreType.DMA,
        ],
    )(starts, atoms, mem_i32)


def _mlp_body(p_ref, q_ref, r_ref, w0_ref, b0_ref, w1_ref, b1_ref, o_ref):
    g = p_ref[...] + q_ref[...] + r_ref[...]
    h = jnp.dot(g, w0_ref[...], preferred_element_type=jnp.float32) + b0_ref[...]
    h = jnp.maximum(h, 0.0)
    o = jnp.dot(h, w1_ref[...], preferred_element_type=jnp.float32) + b1_ref[...]
    o_ref[...] = jnp.maximum(o, 0.0)


ROWS = 10000


@jax.jit
def _mlp(partials, tc_partial, W0, b0, W1, b1):
    grid = (NUM_SEGMENTS // ROWS,)
    return pl.pallas_call(
        _mlp_body,
        grid=grid,
        in_specs=[
            pl.BlockSpec((ROWS, D_FEAT), lambda i: (i, 0)),
            pl.BlockSpec((ROWS, D_FEAT), lambda i: (i + NUM_SEGMENTS // ROWS, 0)),
            pl.BlockSpec((ROWS, D_FEAT), lambda i: (i, 0)),
            pl.BlockSpec((D_FEAT, HIDDEN), lambda i: (0, 0)),
            pl.BlockSpec((1, HIDDEN), lambda i: (0, 0)),
            pl.BlockSpec((HIDDEN, N_OUT), lambda i: (0, 0)),
            pl.BlockSpec((1, N_OUT), lambda i: (0, 0)),
        ],
        out_specs=pl.BlockSpec((ROWS, N_OUT), lambda i: (i, 0)),
        out_shape=jax.ShapeDtypeStruct((NUM_SEGMENTS, N_OUT), jnp.float32),
    )(partials, partials, tc_partial, W0, b0, W1, b1)


def kernel(atom_features, membership, W0, b0, W1, b1):
    mem_i32 = membership.astype(jnp.int32)
    zeros = jnp.zeros((SEG_PER_TILE, D_FEAT), jnp.float32)
    starts = jnp.searchsorted(
        mem_i32, jnp.arange(N_WIN + 1, dtype=jnp.int32) * WIN, method="compare_all"
    ).astype(jnp.int32)
    starts = jnp.maximum(starts, SC_ATOMS)
    partials = _sc_segsum(atom_features, mem_i32, zeros)
    tc_partial = _tc_win_segsum(atom_features, mem_i32, starts)
    return _mlp(partials, tc_partial, W0, b0.reshape(1, HIDDEN), W1, b1.reshape(1, N_OUT))

# --- scband reference (transcript-rebuilt; emitter-appended) ---
"""Pipeline reference for scband-daggather-17085379904202 (READ-ONLY COPY).

The authoritative reference and input builder live on the scoring server;
editing this copy changes nothing except your own understanding.
"""

import jax, jax.numpy as jnp
import numpy as np

NUM_SEGMENTS = 10000
N_ATOMS = 320000
D_FEAT = 128
HIDDEN = 256
N_OUT = 128

def setup_inputs(seed: int = 0) -> dict:
    key = jax.random.key(seed)
    k1, k2, k3, k4 = jax.random.split(key, 4)
    atom_features = jax.random.normal(k1, (N_ATOMS, D_FEAT), dtype=jnp.float32)
    membership = jnp.sort(jax.random.randint(k2, (N_ATOMS,), 0, NUM_SEGMENTS)).astype(jnp.int64)
    # glorot_uniform init for W_list, zeros for b_list
    limit0 = np.sqrt(6.0 / (D_FEAT + HIDDEN))
    W0 = jax.random.uniform(k3, (D_FEAT, HIDDEN), minval=-limit0, maxval=limit0, dtype=jnp.float32)
    b0 = jnp.zeros((HIDDEN,), dtype=jnp.float32)
    limit1 = np.sqrt(6.0 / (HIDDEN + N_OUT))
    W1 = jax.random.uniform(k4, (HIDDEN, N_OUT), minval=-limit1, maxval=limit1, dtype=jnp.float32)
    b1 = jnp.zeros((N_OUT,), dtype=jnp.float32)
    return {"atom_features": atom_features, "membership": membership, "W0": W0, "b0": b0, "W1": W1, "b1": b1}

def reference(atom_features, membership, W0, b0, W1, b1):
    # tf.segment_sum: sum atom features per molecule
    graph_features = jax.ops.segment_sum(atom_features, membership, num_segments=NUM_SEGMENTS)
    # DAGgraph_step: xw_plus_b + activation for each layer (including output layer)
    out = jax.nn.relu(graph_features @ W0 + b0)
    out = jax.nn.relu(out @ W1 + b1)
    return out

if __name__ == "__main__":
    import jax
    _d = setup_inputs()
    print(jax.jit(kernel)(*tuple(_d.values())))

</pallas_src>

<mosaic_0001>
#map = affine_map<(d0, d1) -> (0, 0)>
#map1 = affine_map<(d0, d1) -> (0)>
module attributes {stable_mosaic.version = 14 : i64} {
  func.func @_sc_body(%arg0: i32, %arg1: i32, %arg2: memref<320000x128xf32, #tpu.memory_space<hbm>>, %arg3: memref<320000xi32, #tpu.memory_space<hbm>>, %arg4: memref<624x128xf32, #tpu.memory_space<hbm>>, %arg5: memref<20000x128xf32, #tpu.memory_space<hbm>>, %arg6: memref<128xi32, #tpu.memory_space<vmem>>, %arg7: memref<128xi32, #tpu.memory_space<vmem>>, %arg8: memref<128x128xf32, #tpu.memory_space<vmem>>, %arg9: memref<128x128xf32, #tpu.memory_space<vmem>>, %arg10: memref<8xi32, #tpu.memory_space<vmem>>, %arg11: memref<8x128xf32, #tpu.memory_space<vmem>>, %arg12: memref<10000x128xf32, #tpu.memory_space<vmem_shared>>, %arg13: memref<!tpu.dma_semaphore, #tpu.memory_space<semaphore_mem>>, %arg14: memref<!tpu.dma_semaphore, #tpu.memory_space<semaphore_mem>>, %arg15: memref<!tpu.dma_semaphore, #tpu.memory_space<semaphore_mem>>, %arg16: memref<!tpu.dma_semaphore, #tpu.memory_space<semaphore_mem>>, %arg17: memref<!tpu.dma_semaphore, #tpu.memory_space<semaphore_mem>>, %arg18: memref<!tpu.dma_semaphore, #tpu.memory_space<semaphore_mem>>) attributes {dimension_semantics = [#tpu.dimension_semantics<core_parallel>, #tpu.dimension_semantics<subcore_parallel>], iteration_bounds = array<i64: 2, 16>, scalar_prefetch = 0 : i64, scratch_operands = 13 : i64, tpu.core_type = #tpu.core_type<sc_vector_subcore>, window_params = [{transform_indices = #map}, {transform_indices = #map1}, {transform_indices = #map}, {transform_indices = #map}]} {
    %mul3A = arith.constant 2 : i32
    %mul3A_0 = arith.muli %arg1, %mul3A : i32
    %add3A = arith.addi %mul3A_0, %arg0 : i32
    %mul3A_1 = arith.constant 624 : i32
    %mul3A_2 = arith.muli %arg1, %mul3A_1 : i32
    %multiple_of3A = tpu.assume_multiple %mul3A_2, 8 : i32
    %mul3A_3 = arith.constant 8320 : i32
    %mul3A_4 = arith.muli %add3A, %mul3A_3 : i32
    %add3A_5 = arith.constant 0 : i32
    %add3A_6 = arith.addi %mul3A_4, %add3A_5 : i32
    %multiple_of3A_7 = tpu.assume_multiple %add3A_6, 8 : i32
    %dma_start3A = tpu.memref_slice %arg3[%multiple_of3A_7] : memref<320000xi32, #tpu.memory_space<hbm>> -> memref<128xi32, #tpu.memory_space<hbm>>
    %dma_start3A_8 = tpu.memref_slice %arg3[%multiple_of3A_7] : memref<320000xi32, #tpu.memory_space<hbm>> -> memref<128xi32, #tpu.memory_space<hbm>>
    tpu.enqueue_dma source(%dma_start3A_8 : memref<128xi32, #tpu.memory_space<hbm>>) target(%arg6 : memref<128xi32, #tpu.memory_space<vmem>>) target_semaphore(%arg13 : memref<!tpu.dma_semaphore, #tpu.memory_space<semaphore_mem>>)
    %dma_start3A_9 = arith.constant 0 : i32
    %dma_start3A_10 = tpu.memref_slice %arg2[%multiple_of3A_7, %dma_start3A_9] : memref<320000x128xf32, #tpu.memory_space<hbm>> -> memref<128x128xf32, #tpu.memory_space<hbm>>
    %dma_start3A_11 = arith.constant 0 : i32
    %dma_start3A_12 = tpu.memref_slice %arg2[%multiple_of3A_7, %dma_start3A_11] : memref<320000x128xf32, #tpu.memory_space<hbm>> -> memref<128x128xf32, #tpu.memory_space<hbm>>
    tpu.enqueue_dma source(%dma_start3A_12 : memref<128x128xf32, #tpu.memory_space<hbm>>) target(%arg8 : memref<128x128xf32, #tpu.memory_space<vmem>>) target_semaphore(%arg14 : memref<!tpu.dma_semaphore, #tpu.memory_space<semaphore_mem>>)
    %mul3A_13 = arith.constant 8320 : i32
    %mul3A_14 = arith.muli %add3A, %mul3A_13 : i32
    %add3A_15 = arith.constant 128 : i32
    %add3A_16 = arith.addi %mul3A_14, %add3A_15 : i32
    %multiple_of3A_17 = tpu.assume_multiple %add3A_16, 8 : i32
    %dma_start3A_18 = tpu.memref_slice %arg3[%multiple_of3A_17] : memref<320000xi32, #tpu.memory_space<hbm>> -> memref<128xi32, #tpu.memory_space<hbm>>
    %dma_start3A_19 = tpu.memref_slice %arg3[%multiple_of3A_17] : memref<320000xi32, #tpu.memory_space<hbm>> -> memref<128xi32, #tpu.memory_space<hbm>>
    tpu.enqueue_dma source(%dma_start3A_19 : memref<128xi32, #tpu.memory_space<hbm>>) target(%arg7 : memref<128xi32, #tpu.memory_space<vmem>>) target_semaphore(%arg15 : memref<!tpu.dma_semaphore, #tpu.memory_space<semaphore_mem>>)
    %dma_start3A_20 = arith.constant 0 : i32
    %dma_start3A_21 = tpu.memref_slice %arg2[%multiple_of3A_17, %dma_start3A_20] : memref<320000x128xf32, #tpu.memory_space<hbm>> -> memref<128x128xf32, #tpu.memory_space<hbm>>
    %dma_start3A_22 = arith.constant 0 : i32
    %dma_start3A_23 = tpu.memref_slice %arg2[%multiple_of3A_17, %dma_start3A_22] : memref<320000x128xf32, #tpu.memory_space<hbm>> -> memref<128x128xf32, #tpu.memory_space<hbm>>
    tpu.enqueue_dma source(%dma_start3A_23 : memref<128x128xf32, #tpu.memory_space<hbm>>) target(%arg9 : memref<128x128xf32, #tpu.memory_space<vmem>>) target_semaphore(%arg16 : memref<!tpu.dma_semaphore, #tpu.memory_space<semaphore_mem>>)
    "tpu.region"() ({
      %run_scoped3A = tpu.sem_alloc : memref<!tpu.dma_semaphore, #tpu.memory_space<semaphore_mem>>
      %dma_start3A_52 = arith.constant 0 : i32
      %dma_start3A_53 = tpu.memref_slice %arg12[%multiple_of3A, %dma_start3A_52] : memref<10000x128xf32, #tpu.memory_space<vmem_shared>> -> memref<624x128xf32, #tpu.memory_space<vmem_shared>>
      tpu.enqueue_dma source(%arg4 : memref<624x128xf32, #tpu.memory_space<hbm>>) target(%dma_start3A_53 : memref<624x128xf32, #tpu.memory_space<vmem_shared>>) target_semaphore(%run_scoped3A : memref<!tpu.dma_semaphore, #tpu.memory_space<semaphore_mem>>)
      %dma_wait3A_54 = arith.constant 0 : i32
      %dma_wait3A_55 = tpu.memref_slice %arg12[%multiple_of3A, %dma_wait3A_54] : memref<10000x128xf32, #tpu.memory_space<vmem_shared>> -> memref<624x128xf32, #tpu.memory_space<vmem_shared>>
      tpu.wait_dma2 semaphore(%run_scoped3A : memref<!tpu.dma_semaphore, #tpu.memory_space<semaphore_mem>>) src(%arg4 : memref<624x128xf32, #tpu.memory_space<hbm>>) dst(%dma_wait3A_55 : memref<624x128xf32, #tpu.memory_space<vmem_shared>>)
      tpu.yield
    }) : () -> ()
    %eq3A = arith.constant 0 : i32
    %eq3A_24 = arith.cmpi eq, %arg1, %eq3A : i32
    %convert_element_type3A = arith.extui %eq3A_24 : i1 to i32
    %cond3A = arith.constant 0 : i32
    %cond3A_25 = arith.cmpi ne, %convert_element_type3A, %cond3A : i32
    scf.if %cond3A_25 {
      "tpu.region"() ({
        %run_scoped3A = tpu.sem_alloc : memref<!tpu.dma_semaphore, #tpu.memory_space<semaphore_mem>>
        %dma_start3A_52 = arith.constant 9984 : i32
        %dma_start3A_53 = arith.constant 0 : i32
        %dma_start3A_54 = tpu.memref_slice %arg12[%dma_start3A_52, %dma_start3A_53] : memref<10000x128xf32, #tpu.memory_space<vmem_shared>> -> memref<16x128xf32, #tpu.memory_space<vmem_shared>>
        %dma_start3A_55 = arith.constant 0 : i32
        %dma_start3A_56 = arith.constant 0 : i32
        %dma_start3A_57 = tpu.memref_slice %arg4[%dma_start3A_55, %dma_start3A_56] : memref<624x128xf32, #tpu.memory_space<hbm>> -> memref<16x128xf32, #tpu.memory_space<hbm>>
        tpu.enqueue_dma source(%dma_start3A_57 : memref<16x128xf32, #tpu.memory_space<hbm>>) target(%dma_start3A_54 : memref<16x128xf32, #tpu.memory_space<vmem_shared>>) target_semaphore(%run_scoped3A : memref<!tpu.dma_semaphore, #tpu.memory_space<semaphore_mem>>)
        %dma_wait3A_58 = arith.constant 9984 : i32
        %dma_wait3A_59 = arith.constant 0 : i32
        %dma_wait3A_60 = tpu.memref_slice %arg12[%dma_wait3A_58, %dma_wait3A_59] : memref<10000x128xf32, #tpu.memory_space<vmem_shared>> -> memref<16x128xf32, #tpu.memory_space<vmem_shared>>
        %dma_wait3A_61 = arith.constant 0 : i32
        %dma_wait3A_62 = arith.constant 0 : i32
        %dma_wait3A_63 = tpu.memref_slice %arg4[%dma_wait3A_61, %dma_wait3A_62] : memref<624x128xf32, #tpu.memory_space<hbm>> -> memref<16x128xf32, #tpu.memory_space<hbm>>
        tpu.wait_dma2 semaphore(%run_scoped3A : memref<!tpu.dma_semaphore, #tpu.memory_space<semaphore_mem>>) src(%dma_wait3A_63 : memref<16x128xf32, #tpu.memory_space<hbm>>) dst(%dma_wait3A_60 : memref<16x128xf32, #tpu.memory_space<vmem_shared>>)
        tpu.yield
      }) : () -> ()
    } else {
    }
    %barrier3A = arith.constant 0 : index
    tpu.barrier barrier_id(%barrier3A)
    %scan3A = arith.constant 0 : i32
    %scan3A_26 = arith.constant 0 : i32
    %scan3A_27 = arith.constant 32 : i32
    %scan3A_28 = arith.addi %scan3A_26, %scan3A_27 : i32
    %scan3A_29 = arith.constant 1 : i32
    scf.for %scan3A_52 = %scan3A_26 to %scan3A_28 step %scan3A_29  : i32 {
      %mul3A_53 = arith.constant 2 : i32
      %mul3A_54 = arith.muli %scan3A_52, %mul3A_53 : i32
      %mul3A_55 = arith.constant 2 : i32
      %mul3A_56 = arith.muli %scan3A_52, %mul3A_55 : i32
      %add3A_57 = arith.constant 1 : i32
      %add3A_58 = arith.addi %mul3A_56, %add3A_57 : i32
      %dma_wait3A_59 = arith.constant 0 : i32
      %dma_wait3A_60 = tpu.memref_slice %arg3[%dma_wait3A_59] : memref<320000xi32, #tpu.memory_space<hbm>> -> memref<128xi32, #tpu.memory_space<hbm>>
      %dma_wait3A_61 = arith.constant 0 : i32
      %dma_wait3A_62 = tpu.memref_slice %arg3[%dma_wait3A_61] : memref<320000xi32, #tpu.memory_space<hbm>> -> memref<128xi32, #tpu.memory_space<hbm>>
      tpu.wait_dma2 semaphore(%arg13 : memref<!tpu.dma_semaphore, #tpu.memory_space<semaphore_mem>>) src(%dma_wait3A_62 : memref<128xi32, #tpu.memory_space<hbm>>) dst(%arg6 : memref<128xi32, #tpu.memory_space<vmem>>)
      %dma_wait3A_63 = arith.constant 0 : i32
      %dma_wait3A_64 = arith.constant 0 : i32
      %dma_wait3A_65 = tpu.memref_slice %arg2[%dma_wait3A_63, %dma_wait3A_64] : memref<320000x128xf32, #tpu.memory_space<hbm>> -> memref<128x128xf32, #tpu.memory_space<hbm>>
      %dma_wait3A_66 = arith.constant 0 : i32
      %dma_wait3A_67 = arith.constant 0 : i32
      %dma_wait3A_68 = tpu.memref_slice %arg2[%dma_wait3A_66, %dma_wait3A_67] : memref<320000x128xf32, #tpu.memory_space<hbm>> -> memref<128x128xf32, #tpu.memory_space<hbm>>
      tpu.wait_dma2 semaphore(%arg14 : memref<!tpu.dma_semaphore, #tpu.memory_space<semaphore_mem>>) src(%dma_wait3A_68 : memref<128x128xf32, #tpu.memory_space<hbm>>) dst(%arg8 : memref<128x128xf32, #tpu.memory_space<vmem>>)
      "tpu.region"() ({
        %run_scoped3A = tpu.sem_alloc : memref<!tpu.dma_semaphore, #tpu.memory_space<semaphore_mem>>
        %dma_start3A_92 = arith.constant 0 : i32
        %dma_start3A_93 = arith.constant 0 : i32
        %dma_start3A_94 = tpu.memref_slice %arg12[%dma_start3A_92, %dma_start3A_93] : memref<10000x128xf32, #tpu.memory_space<vmem_shared>> -> memref<10000x128xf32, #tpu.memory_space<vmem_shared>>
        tpu.enqueue_indirect_dma source(%arg8 : memref<128x128xf32, #tpu.memory_space<vmem>>) target(%dma_start3A_94 : memref<10000x128xf32, #tpu.memory_space<vmem_shared>>) offsets(%arg6 : memref<128xi32, #tpu.memory_space<vmem>>) semaphore(%run_scoped3A : memref<!tpu.dma_semaphore, #tpu.memory_space<semaphore_mem>>) {add = true}
        %dma_wait3A_95 = arith.constant 0 : i32
        %dma_wait3A_96 = arith.constant 0 : i32
        %dma_wait3A_97 = tpu.memref_slice %arg12[%dma_wait3A_95, %dma_wait3A_96] : memref<10000x128xf32, #tpu.memory_space<vmem_shared>> -> memref<10000x128xf32, #tpu.memory_space<vmem_shared>>
        tpu.wait_indirect_dma semaphore(%run_scoped3A : memref<!tpu.dma_semaphore, #tpu.memory_space<semaphore_mem>>) src(%arg8 : memref<128x128xf32, #tpu.memory_space<vmem>>) dst(%dma_wait3A_97 : memref<10000x128xf32, #tpu.memory_space<vmem_shared>>)
        tpu.yield
      }) : () -> ()
      %add3A_69 = arith.constant 2 : i32
      %add3A_70 = arith.addi %mul3A_54, %add3A_69 : i32
      %lt3A = arith.constant 65 : i32
      %lt3A_71 = arith.cmpi slt, %add3A_70, %lt3A : i32
      %convert_element_type3A_72 = arith.extui %lt3A_71 : i1 to i32
      %cond3A_73 = arith.constant 0 : i32
      %cond3A_74 = arith.cmpi ne, %convert_element_type3A_72, %cond3A_73 : i32
      scf.if %cond3A_74 {
        %add3A_92 = arith.constant 2 : i32
        %add3A_93 = arith.addi %mul3A_54, %add3A_92 : i32
        %mul3A_94 = arith.constant 8320 : i32
        %mul3A_95 = arith.muli %add3A, %mul3A_94 : i32
        %mul3A_96 = arith.constant 128 : i32
        %mul3A_97 = arith.muli %add3A_93, %mul3A_96 : i32
        %add3A_98 = arith.addi %mul3A_95, %mul3A_97 : i32
        %multiple_of3A_99 = tpu.assume_multiple %add3A_98, 8 : i32
        %dma_start3A_100 = tpu.memref_slice %arg3[%multiple_of3A_99] : memref<320000xi32, #tpu.memory_space<hbm>> -> memref<128xi32, #tpu.memory_space<hbm>>
        %dma_start3A_101 = tpu.memref_slice %arg3[%multiple_of3A_99] : memref<320000xi32, #tpu.memory_space<hbm>> -> memref<128xi32, #tpu.memory_space<hbm>>
        tpu.enqueue_dma source(%dma_start3A_101 : memref<128xi32, #tpu.memory_space<hbm>>) target(%arg6 : memref<128xi32, #tpu.memory_space<vmem>>) target_semaphore(%arg13 : memref<!tpu.dma_semaphore, #tpu.memory_space<semaphore_mem>>)
        %dma_start3A_102 = arith.constant 0 : i32
        %dma_start3A_103 = tpu.memref_slice %arg2[%multiple_of3A_99, %dma_start3A_102] : memref<320000x128xf32, #tpu.memory_space<hbm>> -> memref<128x128xf32, #tpu.memory_space<hbm>>
        %dma_start3A_104 = arith.constant 0 : i32
        %dma_start3A_105 = tpu.memref_slice %arg2[%multiple_of3A_99, %dma_start3A_104] : memref<320000x128xf32, #tpu.memory_space<hbm>> -> memref<128x128xf32, #tpu.memory_space<hbm>>
        tpu.enqueue_dma source(%dma_start3A_105 : memref<128x128xf32, #tpu.memory_space<hbm>>) target(%arg8 : memref<128x128xf32, #tpu.memory_space<vmem>>) target_semaphore(%arg14 : memref<!tpu.dma_semaphore, #tpu.memory_space<semaphore_mem>>)
      } else {
      }
      %dma_wait3A_75 = arith.constant 0 : i32
      %dma_wait3A_76 = tpu.memref_slice %arg3[%dma_wait3A_75] : memref<320000xi32, #tpu.memory_space<hbm>> -> memref<128xi32, #tpu.memory_space<hbm>>
      %dma_wait3A_77 = arith.constant 0 : i32
      %dma_wait3A_78 = tpu.memref_slice %arg3[%dma_wait3A_77] : memref<320000xi32, #tpu.memory_space<hbm>> -> memref<128xi32, #tpu.memory_space<hbm>>
      tpu.wait_dma2 semaphore(%arg15 : memref<!tpu.dma_semaphore, #tpu.memory_space<semaphore_mem>>) src(%dma_wait3A_78 : memref<128xi32, #tpu.memory_space<hbm>>) dst(%arg7 : memref<128xi32, #tpu.memory_space<vmem>>)
      %dma_wait3A_79 = arith.constant 0 : i32
      %dma_wait3A_80 = arith.constant 0 : i32
      %dma_wait3A_81 = tpu.memref_slice %arg2[%dma_wait3A_79, %dma_wait3A_80] : memref<320000x128xf32, #tpu.memory_space<hbm>> -> memref<128x128xf32, #tpu.memory_space<hbm>>
      %dma_wait3A_82 = arith.constant 0 : i32
      %dma_wait3A_83 = arith.constant 0 : i32
      %dma_wait3A_84 = tpu.memref_slice %arg2[%dma_wait3A_82, %dma_wait3A_83] : memref<320000x128xf32, #tpu.memory_space<hbm>> -> memref<128x128xf32, #tpu.memory_space<hbm>>
      tpu.wait_dma2 semaphore(%arg16 : memref<!tpu.dma_semaphore, #tpu.memory_space<semaphore_mem>>) src(%dma_wait3A_84 : memref<128x128xf32, #tpu.memory_space<hbm>>) dst(%arg9 : memref<128x128xf32, #tpu.memory_space<vmem>>)
      "tpu.region"() ({
        %run_scoped3A = tpu.sem_alloc : memref<!tpu.dma_semaphore, #tpu.memory_space<semaphore_mem>>
        %dma_start3A_92 = arith.constant 0 : i32
        %dma_start3A_93 = arith.constant 0 : i32
        %dma_start3A_94 = tpu.memref_slice %arg12[%dma_start3A_92, %dma_start3A_93] : memref<10000x128xf32, #tpu.memory_space<vmem_shared>> -> memref<10000x128xf32, #tpu.memory_space<vmem_shared>>
        tpu.enqueue_indirect_dma source(%arg9 : memref<128x128xf32, #tpu.memory_space<vmem>>) target(%dma_start3A_94 : memref<10000x128xf32, #tpu.memory_space<vmem_shared>>) offsets(%arg7 : memref<128xi32, #tpu.memory_space<vmem>>) semaphore(%run_scoped3A : memref<!tpu.dma_semaphore, #tpu.memory_space<semaphore_mem>>) {add = true}
        %dma_wait3A_95 = arith.constant 0 : i32
        %dma_wait3A_96 = arith.constant 0 : i32
        %dma_wait3A_97 = tpu.memref_slice %arg12[%dma_wait3A_95, %dma_wait3A_96] : memref<10000x128xf32, #tpu.memory_space<vmem_shared>> -> memref<10000x128xf32, #tpu.memory_space<vmem_shared>>
        tpu.wait_indirect_dma semaphore(%run_scoped3A : memref<!tpu.dma_semaphore, #tpu.memory_space<semaphore_mem>>) src(%arg9 : memref<128x128xf32, #tpu.memory_space<vmem>>) dst(%dma_wait3A_97 : memref<10000x128xf32, #tpu.memory_space<vmem_shared>>)
        tpu.yield
      }) : () -> ()
      %add3A_85 = arith.constant 2 : i32
      %add3A_86 = arith.addi %add3A_58, %add3A_85 : i32
      %lt3A_87 = arith.constant 65 : i32
      %lt3A_88 = arith.cmpi slt, %add3A_86, %lt3A_87 : i32
      %convert_element_type3A_89 = arith.extui %lt3A_88 : i1 to i32
      %cond3A_90 = arith.constant 0 : i32
      %cond3A_91 = arith.cmpi ne, %convert_element_type3A_89, %cond3A_90 : i32
      scf.if %cond3A_91 {
        %add3A_92 = arith.constant 2 : i32
        %add3A_93 = arith.addi %add3A_58, %add3A_92 : i32
        %mul3A_94 = arith.constant 8320 : i32
        %mul3A_95 = arith.muli %add3A, %mul3A_94 : i32
        %mul3A_96 = arith.constant 128 : i32
        %mul3A_97 = arith.muli %add3A_93, %mul3A_96 : i32
        %add3A_98 = arith.addi %mul3A_95, %mul3A_97 : i32
        %multiple_of3A_99 = tpu.assume_multiple %add3A_98, 8 : i32
        %dma_start3A_100 = tpu.memref_slice %arg3[%multiple_of3A_99] : memref<320000xi32, #tpu.memory_space<hbm>> -> memref<128xi32, #tpu.memory_space<hbm>>
        %dma_start3A_101 = tpu.memref_slice %arg3[%multiple_of3A_99] : memref<320000xi32, #tpu.memory_space<hbm>> -> memref<128xi32, #tpu.memory_space<hbm>>
        tpu.enqueue_dma source(%dma_start3A_101 : memref<128xi32, #tpu.memory_space<hbm>>) target(%arg7 : memref<128xi32, #tpu.memory_space<vmem>>) target_semaphore(%arg15 : memref<!tpu.dma_semaphore, #tpu.memory_space<semaphore_mem>>)
        %dma_start3A_102 = arith.constant 0 : i32
        %dma_start3A_103 = tpu.memref_slice %arg2[%multiple_of3A_99, %dma_start3A_102] : memref<320000x128xf32, #tpu.memory_space<hbm>> -> memref<128x128xf32, #tpu.memory_space<hbm>>
        %dma_start3A_104 = arith.constant 0 : i32
        %dma_start3A_105 = tpu.memref_slice %arg2[%multiple_of3A_99, %dma_start3A_104] : memref<320000x128xf32, #tpu.memory_space<hbm>> -> memref<128x128xf32, #tpu.memory_space<hbm>>
        tpu.enqueue_dma source(%dma_start3A_105 : memref<128x128xf32, #tpu.memory_space<hbm>>) target(%arg9 : memref<128x128xf32, #tpu.memory_space<vmem>>) target_semaphore(%arg16 : memref<!tpu.dma_semaphore, #tpu.memory_space<semaphore_mem>>)
      } else {
      }
    }
    %scan3A_30 = arith.constant 32 : i32
    %dma_wait3A = arith.constant 0 : i32
    %dma_wait3A_31 = tpu.memref_slice %arg3[%dma_wait3A] : memref<320000xi32, #tpu.memory_space<hbm>> -> memref<128xi32, #tpu.memory_space<hbm>>
    %dma_wait3A_32 = arith.constant 0 : i32
    %dma_wait3A_33 = tpu.memref_slice %arg3[%dma_wait3A_32] : memref<320000xi32, #tpu.memory_space<hbm>> -> memref<128xi32, #tpu.memory_space<hbm>>
    tpu.wait_dma2 semaphore(%arg13 : memref<!tpu.dma_semaphore, #tpu.memory_space<semaphore_mem>>) src(%dma_wait3A_33 : memref<128xi32, #tpu.memory_space<hbm>>) dst(%arg6 : memref<128xi32, #tpu.memory_space<vmem>>)
    %dma_wait3A_34 = arith.constant 0 : i32
    %dma_wait3A_35 = arith.constant 0 : i32
    %dma_wait3A_36 = tpu.memref_slice %arg2[%dma_wait3A_34, %dma_wait3A_35] : memref<320000x128xf32, #tpu.memory_space<hbm>> -> memref<128x128xf32, #tpu.memory_space<hbm>>
    %dma_wait3A_37 = arith.constant 0 : i32
    %dma_wait3A_38 = arith.constant 0 : i32
    %dma_wait3A_39 = tpu.memref_slice %arg2[%dma_wait3A_37, %dma_wait3A_38] : memref<320000x128xf32, #tpu.memory_space<hbm>> -> memref<128x128xf32, #tpu.memory_space<hbm>>
    tpu.wait_dma2 semaphore(%arg14 : memref<!tpu.dma_semaphore, #tpu.memory_space<semaphore_mem>>) src(%dma_wait3A_39 : memref<128x128xf32, #tpu.memory_space<hbm>>) dst(%arg8 : memref<128x128xf32, #tpu.memory_space<vmem>>)
    "tpu.region"() ({
      %run_scoped3A = tpu.sem_alloc : memref<!tpu.dma_semaphore, #tpu.memory_space<semaphore_mem>>
      %dma_start3A_52 = arith.constant 0 : i32
      %dma_start3A_53 = arith.constant 0 : i32
      %dma_start3A_54 = tpu.memref_slice %arg12[%dma_start3A_52, %dma_start3A_53] : memref<10000x128xf32, #tpu.memory_space<vmem_shared>> -> memref<10000x128xf32, #tpu.memory_space<vmem_shared>>
      tpu.enqueue_indirect_dma source(%arg8 : memref<128x128xf32, #tpu.memory_space<vmem>>) target(%dma_start3A_54 : memref<10000x128xf32, #tpu.memory_space<vmem_shared>>) offsets(%arg6 : memref<128xi32, #tpu.memory_space<vmem>>) semaphore(%run_scoped3A : memref<!tpu.dma_semaphore, #tpu.memory_space<semaphore_mem>>) {add = true}
      %dma_wait3A_55 = arith.constant 0 : i32
      %dma_wait3A_56 = arith.constant 0 : i32
      %dma_wait3A_57 = tpu.memref_slice %arg12[%dma_wait3A_55, %dma_wait3A_56] : memref<10000x128xf32, #tpu.memory_space<vmem_shared>> -> memref<10000x128xf32, #tpu.memory_space<vmem_shared>>
      tpu.wait_indirect_dma semaphore(%run_scoped3A : memref<!tpu.dma_semaphore, #tpu.memory_space<semaphore_mem>>) src(%arg8 : memref<128x128xf32, #tpu.memory_space<vmem>>) dst(%dma_wait3A_57 : memref<10000x128xf32, #tpu.memory_space<vmem_shared>>)
      tpu.yield
    }) : () -> ()
    %barrier3A_40 = arith.constant 0 : index
    tpu.barrier barrier_id(%barrier3A_40)
    %mul3A_41 = arith.constant 10000 : i32
    %mul3A_42 = arith.muli %arg0, %mul3A_41 : i32
    %mul3A_43 = arith.constant 624 : i32
    %mul3A_44 = arith.muli %arg1, %mul3A_43 : i32
    %add3A_45 = arith.addi %mul3A_42, %mul3A_44 : i32
    %multiple_of3A_46 = tpu.assume_multiple %add3A_45, 8 : i32
    "tpu.region"() ({
      %run_scoped3A = tpu.sem_alloc : memref<!tpu.dma_semaphore, #tpu.memory_space<semaphore_mem>>
      %dma_start3A_52 = arith.constant 0 : i32
      %dma_start3A_53 = tpu.memref_slice %arg5[%multiple_of3A_46, %dma_start3A_52] : memref<20000x128xf32, #tpu.memory_space<hbm>> -> memref<624x128xf32, #tpu.memory_space<hbm>>
      %dma_start3A_54 = arith.constant 0 : i32
      %dma_start3A_55 = tpu.memref_slice %arg12[%multiple_of3A, %dma_start3A_54] : memref<10000x128xf32, #tpu.memory_space<vmem_shared>> -> memref<624x128xf32, #tpu.memory_space<vmem_shared>>
      tpu.enqueue_dma source(%dma_start3A_55 : memref<624x128xf32, #tpu.memory_space<vmem_shared>>) target(%dma_start3A_53 : memref<624x128xf32, #tpu.memory_space<hbm>>) target_semaphore(%run_scoped3A : memref<!tpu.dma_semaphore, #tpu.memory_space<semaphore_mem>>)
      %dma_wait3A_56 = arith.constant 0 : i32
      %dma_wait3A_57 = tpu.memref_slice %arg5[%multiple_of3A_46, %dma_wait3A_56] : memref<20000x128xf32, #tpu.memory_space<hbm>> -> memref<624x128xf32, #tpu.memory_space<hbm>>
      %dma_wait3A_58 = arith.constant 0 : i32
      %dma_wait3A_59 = tpu.memref_slice %arg12[%multiple_of3A, %dma_wait3A_58] : memref<10000x128xf32, #tpu.memory_space<vmem_shared>> -> memref<624x128xf32, #tpu.memory_space<vmem_shared>>
      tpu.wait_dma2 semaphore(%run_scoped3A : memref<!tpu.dma_semaphore, #tpu.memory_space<semaphore_mem>>) src(%dma_wait3A_59 : memref<624x128xf32, #tpu.memory_space<vmem_shared>>) dst(%dma_wait3A_57 : memref<624x128xf32, #tpu.memory_space<hbm>>)
      tpu.yield
    }) : () -> ()
    %eq3A_47 = arith.constant 0 : i32
    %eq3A_48 = arith.cmpi eq, %arg1, %eq3A_47 : i32
    %convert_element_type3A_49 = arith.extui %eq3A_48 : i1 to i32
    %cond3A_50 = arith.constant 0 : i32
    %cond3A_51 = arith.cmpi ne, %convert_element_type3A_49, %cond3A_50 : i32
    scf.if %cond3A_51 {
      %mul3A_52 = arith.constant 10000 : i32
      %mul3A_53 = arith.muli %arg0, %mul3A_52 : i32
      %add3A_54 = arith.constant 9984 : i32
      %add3A_55 = arith.addi %mul3A_53, %add3A_54 : i32
      %multiple_of3A_56 = tpu.assume_multiple %add3A_55, 8 : i32
      "tpu.region"() ({
        %run_scoped3A = tpu.sem_alloc : memref<!tpu.dma_semaphore, #tpu.memory_space<semaphore_mem>>
        %dma_start3A_57 = arith.constant 0 : i32
        %dma_start3A_58 = tpu.memref_slice %arg5[%multiple_of3A_56, %dma_start3A_57] : memref<20000x128xf32, #tpu.memory_space<hbm>> -> memref<16x128xf32, #tpu.memory_space<hbm>>
        %dma_start3A_59 = arith.constant 9984 : i32
        %dma_start3A_60 = arith.constant 0 : i32
        %dma_start3A_61 = tpu.memref_slice %arg12[%dma_start3A_59, %dma_start3A_60] : memref<10000x128xf32, #tpu.memory_space<vmem_shared>> -> memref<16x128xf32, #tpu.memory_space<vmem_shared>>
        tpu.enqueue_dma source(%dma_start3A_61 : memref<16x128xf32, #tpu.memory_space<vmem_shared>>) target(%dma_start3A_58 : memref<16x128xf32, #tpu.memory_space<hbm>>) target_semaphore(%run_scoped3A : memref<!tpu.dma_semaphore, #tpu.memory_space<semaphore_mem>>)
        %dma_wait3A_62 = arith.constant 0 : i32
        %dma_wait3A_63 = tpu.memref_slice %arg5[%multiple_of3A_56, %dma_wait3A_62] : memref<20000x128xf32, #tpu.memory_space<hbm>> -> memref<16x128xf32, #tpu.memory_space<hbm>>
        %dma_wait3A_64 = arith.constant 9984 : i32
        %dma_wait3A_65 = arith.constant 0 : i32
        %dma_wait3A_66 = tpu.memref_slice %arg12[%dma_wait3A_64, %dma_wait3A_65] : memref<10000x128xf32, #tpu.memory_space<vmem_shared>> -> memref<16x128xf32, #tpu.memory_space<vmem_shared>>
        tpu.wait_dma2 semaphore(%run_scoped3A : memref<!tpu.dma_semaphore, #tpu.memory_space<semaphore_mem>>) src(%dma_wait3A_66 : memref<16x128xf32, #tpu.memory_space<vmem_shared>>) dst(%dma_wait3A_63 : memref<16x128xf32, #tpu.memory_space<hbm>>)
        tpu.yield
      }) : () -> ()
    } else {
    }
    return
  }
}

</mosaic_0001>

<sc_bundles>
// kernel: _sc_segsum.3.cloned.1.call-start
scs
__scs_entry_jumppad:
0x0: {  	(pc) =	sbr.rel $0x88, $3  }
0x1: {  	(tag) =	ssettag $0x0;
	lr =	simm.s32 $0x1  }
0x2: {  	[smem:$0x3F9E] =	sst lr;
	_ =	strace $0xD0000000  }
0x3: {  	_ = 	snop  }
0x4: {  	_ = 	snop  }
0x5: {  	_ = 	snop  }
0x6: {  	_ = 	snop  }
0x7: {  	_ = 	snop  }
__scs_overlays_trampoline_lowered:
0x8: {  	[smem:$0x3FAD] =	sst s0  }
0x9: {  	[smem:$0x3FAE] =	sst s1  }
0xa: {  	[smem:$0x3FAF] =	sst s2  }
0xb: {  	[smem:$0x3FB0] =	sst s3  }
0xc: {  	[smem:$0x3FB1] =	sst s4  }
0xd: {  	[smem:$0x3FB2] =	sst s5  }
0xe: {  	[smem:$0x3FB3] =	sst s6  }
0xf: {  	[smem:$0x3FB4] =	sst s7  }
0x10: {  	[smem:$0x3FB5] =	sst s8  }
0x11: {  	[smem:$0x3FB6] =	sst s9;
	s0 =	simm.s32 @!p0 $0x0  }
0x12: {  	s1 =	sld [smem:$0x3F9C];
	s0 =	simm.s32 @p0 $0x1  }
0x13: {  	[smem:$0x3FB7] =	sst s0;
	s0 =	simm.s32 @!p1 $0x0  }
0x14: {  	s2 =	sld [smem:$0x3F9B];
	s0 =	simm.s32 @p1 $0x1  }
0x15: {  	[smem:$0x3FB8] =	sst s0;
	s0 =	simm.s32 @!p2 $0x0  }
0x16: {  	s3 =	sld [smem:$0x3FDB];
	s0 =	simm.s32 @p2 $0x1  }
0x17: {  	s4 =	simm.s32 $0x1BF5;
	[smem:$0x3FBA] =	sst s0  }
0x18: {  	s0 =	sld [smem:$0x3F9D];
	_ =	swait.ge [sflag:s4], $0x0  }
0x19: {  	s7 =	sld [smem:$0x3F9E]  }
0x1a: {  	s8 =	sadd.s32 $0xFFFFE003, lr  }
0x1b: {  	s9 =	sadd.s32 $0xFFFFFEF7, lr;
	s5 =	simm.s32 $0xFFFFFFFF;
	p2 =	slt.u32 s8, $0xFFFFF086  }
0x1c: {  	p1 =	slt.u32 s9, $0xF7A;
	s5 =	simm.s32 @!p2 $0x0  }
0x1d: {  	s5 =	simm.s32 @p1 $0x1;
	p0 =	seq.s32 s7, s2  }
0x1e: {  	s7 =	smul.u32 @!p0 $0xF7A, s2;
	p2 =	seq.s32 @!p0 s5, $0x0  }
0x1f: {  	s9 =	smul.u32 $0xF7A, s1;
	s8 =	simm.s32 @!p0 $0x1BF5;
	p2 =	por !p2, p0  }
0x20: {  	[sflag:s8] =	ssyncset.s32 @!p0 $0xFFFFF086;
	s6 =	sadd.s32 @!p0 s3, s7;
	s7 =	simm.s32 @!p0 $0x108  }
0x21: {  	s3 =	sadd.s32 s3, s9;
	s6 =	sadd.s32 @!p0 $0x88, s6;
	s7 =	simm.s32 @p2 $0x1082  }
0x22: {  	[simem:s7], [sflag:s8] =	dma.local @!p0 [hbm:s6], $0xF7A  }
0x23: {  	s9 =	sor.u32 $0xD0000000, s2;
	s6 =	simm.s32 $0x108;
	_ =	swait.ge @!p0 [sflag:s8], $0x0  }
0x24: {  	s3 =	sadd.s32 $0x88, s3;
	s6 =	simm.s32 @!p1 $0x1082;
	[sflag:s4] =	ssyncset.s32 $0xFFFFF086  }
0x25: {  	[simem:s6], [sflag:s4] =	dma.local [hbm:s3], $0xF7A  }
0x26: {  	[smem:$0x3F9E] =	sst s1;
	(tag) =	ssettag s2;
	_ =	strace s9  }
0x27: {  	s1 =	sld [smem:$0x3FAE]  }
0x28: {  	s2 =	sld [smem:$0x3FAF]  }
0x29: {  	s4 =	sld [smem:$0x3FB1]  }
0x2a: {  	p0 =	seq.s32 s5, $0x0;
	s5 =	sld [smem:$0x3FB2]  }
0x2b: {  	s6 =	sld [smem:$0x3FB3]  }
0x2c: {  	s7 =	sld [smem:$0x3FB4]  }
0x2d: {  	s3 =	simm.s32 $0x108;
	s8 =	sld [smem:$0x3FB5]  }
0x2e: {  	s3 =	simm.s32 @!p0 $0x1082;
	s9 =	sld [smem:$0x3FB6]  }
0x2f: {  	lr =	sadd.s32 s0, s3;
	s0 =	sld [smem:$0x3FAD]  }
0x30: {  	s3 =	sld [smem:$0x3FB0]  }
0x31: {  	[smem:$0x3FB9] =	sst s10  }
0x32: {  	s10 =	sld [smem:$0x3FB7];
	_ =	sdelay $0x3  }
0x33: {  	p0 =	seq.s32 s10, $0x1;
	s10 =	sld [smem:$0x3FB9];
	_ =	sdelay $0x3  }
0x34: {  	[smem:$0x3FB9] =	sst s10  }
0x35: {  	s10 =	sld [smem:$0x3FB8];
	_ =	sdelay $0x3  }
0x36: {  	p1 =	seq.s32 s10, $0x1;
	s10 =	sld [smem:$0x3FB9];
	_ =	sdelay $0x3  }
0x37: {  	[smem:$0x3FB9] =	sst s10  }
0x38: {  	s10 =	sld [smem:$0x3FBA]  }
0x39: {  	_ = 	snop;
	(pc) =	sbr.ind lr, $3  }
0x3a: {  	_ = 	snop  }
0x3b: {  	_ = 	snop  }
0x3c: {  	p2 =	seq.s32 s10, $0x1;
	s10 =	sld [smem:$0x3FB9]  }
0x3d: {  	_ =	shalt  }
0x3e: {  	_ =	shalt  }
0x3f: {  	_ =	shalt  }
0x40: {  	_ =	shalt  }
0x41: {  	_ =	shalt  }
0x42: {  	_ =	shalt  }
0x43: {  	_ =	shalt  }
0x44: {  	_ =	shalt  }
0x45: {  	_ =	shalt  }
0x46: {  	_ =	shalt  }
0x47: {  	_ =	shalt  }
0x48: {  	_ =	shalt  }
0x49: {  	_ =	shalt  }
0x4a: {  	_ =	shalt  }
0x4b: {  	_ =	shalt  }
0x4c: {  	_ =	shalt  }
0x4d: {  	_ =	shalt  }
0x4e: {  	_ =	shalt  }
0x4f: {  	_ =	shalt  }
0x50: {  	_ =	shalt  }
0x51: {  	_ =	shalt  }
0x52: {  	_ =	shalt  }
0x53: {  	_ =	shalt  }
0x54: {  	_ =	shalt  }
0x55: {  	_ =	shalt  }
0x56: {  	_ =	shalt  }
0x57: {  	_ =	shalt  }
0x58: {  	_ =	shalt  }
0x59: {  	_ =	shalt  }
0x5a: {  	_ =	shalt  }
0x5b: {  	_ =	shalt  }
0x5c: {  	_ =	shalt  }
0x5d: {  	_ =	shalt  }
0x5e: {  	_ =	shalt  }
0x5f: {  	_ =	shalt  }
0x60: {  	_ =	shalt  }
0x61: {  	_ =	shalt  }
0x62: {  	_ =	shalt  }
0x63: {  	_ =	shalt  }
0x64: {  	_ =	shalt  }
0x65: {  	_ =	shalt  }
0x66: {  	_ =	shalt  }
0x67: {  	_ =	shalt  }
0x68: {  	_ =	shalt  }
0x69: {  	_ =	shalt  }
0x6a: {  	_ =	shalt  }
0x6b: {  	_ =	shalt  }
0x6c: {  	_ =	shalt  }
0x6d: {  	_ =	shalt  }
0x6e: {  	_ =	shalt  }
0x6f: {  	_ =	shalt  }
0x70: {  	_ =	shalt  }
0x71: {  	_ =	shalt  }
0x72: {  	_ =	shalt  }
0x73: {  	_ =	shalt  }
0x74: {  	_ =	shalt  }
0x75: {  	_ =	shalt  }
0x76: {  	_ =	shalt  }
0x77: {  	_ =	shalt  }
0x78: {  	_ =	shalt  }
0x79: {  	_ =	shalt  }
0x7a: {  	_ =	shalt  }
0x7b: {  	_ =	shalt  }
0x7c: {  	_ =	shalt  }
0x7d: {  	_ =	shalt  }
0x7e: {  	_ =	shalt  }
0x7f: {  	_ =	shalt  }
0x80: {  	_ =	shalt  }
0x81: {  	_ =	shalt  }
0x82: {  	_ =	shalt  }
0x83: {  	_ =	shalt  }
0x84: {  	_ =	shalt  }
0x85: {  	_ =	shalt  }
0x86: {  	_ =	shalt  }
0x87: {  	_ =	shalt  }
.Lfunc_end0:
.L_simem_size_0:
called_computation_lowered:
.L_overlay_start_0:
0x88: {  	s2 =	sld [smem:$0x3FD9]  }
0x89: {  	s3 =	sld [smem:$0x3FFE];
	_ =	sdelay $0x1  }
0x8a: {  	s1 =	srdreg.scid  }
0x8b: {  	s0 =	sand.u32 $0x1, s1  }
0x8c: {  	s18 =	sshll.u32 s0, $0xA;
	s2 =	sadd.s32 s3, s2  }
0x8d: {  	s2 =	sadd.s32 s2, s18  }
0x8e: {  	[smem:$0x3FC5] =	sst s2  }
0x8f: {  	_ = 	snop  }
0x90: {  	s2 =	sld [smem:$0x3FC9]  }
0x91: {  	s19 =	sld [smem:$0x3FC8]  }
0x92: {  	s4 =	sld [smem:$0x3FC7]  }
0x93: {  	s5 =	sld [smem:$0x3FD0];
	(tm) =	ssettm $0x1  }
0x94: {  	s6 =	sld [smem:$0x3FFB];
	_ =	sdelay $0x3  }
0x95: {  	_ =	strace s6  }
0x96: {  	s6 =	sld [smem:$0x3FFC];
	_ =	sdelay $0x3  }
0x97: {  	_ =	strace s6  }
0x98: {  	s6 =	sld [smem:$0x3FFD];
	_ =	sdelay $0x3  }
0x99: {  	_ =	strace s6  }
0x9a: {  	_ =	strace $0x8FFFFFFF  }
0x9b: {  	s20 =	sld [smem:$0x3FDB];
	_ =	sdelay $0x1  }
0x9c: {  	s7 =	simm.s32 $_scs_section_size  }
0x9d: {  	s8 =	simm.s32 $_size__tile_overlayer_lowered;
	s9 =	simm.s32 $_tile_overlayer_lowered  }
0x9e: {  	s23 =	simm.s32 $0x1BFF;
	s22 =	sshll.u32 s9, $0x1;
	s6 =	sadd.s32 s7, s20  }
0x9f: {  	s10 =	simm.s32 $0x0;
	s21 =	sshll.u32 s8, $0x1;
	s8 =	sadd.s32 s22, s6  }
0xa0: {  	[timem:s10], [sflag:s23] =	dma.local [hbm:s8], s21  }
0xa1: {  	_ =	swait.ge [sflag:s23], s21  }
0xa2: {  	s7 =	ssub.s32 $0x0, s21;
	[sflag:s23] =	ssyncset.done $0x0  }
0xa3: {  	[sflag:s23] =	ssyncadd.s32 s7;
	_ =	sdelay $0x1  }
0xa4: {  	s24 =	simm.s32 $0x1B8B  }
0xa5: {  	_ =	swait.ge [sflag:s24], $0x1  }
0xa6: {  	[sflag:s24] =	ssyncset.done $0x0  }
0xa7: {  	s25 =	simm.s32 $0x1B8E;
	[sflag:s24] =	ssyncadd.s32 $0xFFFFFFFF  }
0xa8: {  	s26 =	simm.s32 $execute0_lowered;
	[smem:$0x3FD2] =	sst s25  }
0xa9: {  	s7 =	sshll.u32 s26, $0x1;
	_ =	strace $0x80000046;
	[dreg:$0x1] =	wrdreg $0xFFFFFFFF  }
0xaa: {  	s28 =	simm.s32 $_size_execute0_lowered;
	s6 =	sadd.s32 s6, s7;
	[dreg:$0x0] =	wrdreg $0x0  }
0xab: {  	s7 =	sshll.u32 s28, $0x1;
	[dreg:$0x2] =	wrdreg s6  }
0xac: {  	[dreg:$0x3] =	wrdreg s7  }
0xad: {  	[dreg:$0x4] =	wrdreg $0xC0  }
0xae: {  	_ =	task [dreg:s10], $0x5FFFF  }
0xaf: {  	[dreg:$0x1] =	wrdreg $0xFFFFFFFF  }
0xb0: {  	[dreg:$0x0] =	wrdreg $0x60  }
0xb1: {  	[dreg:$0x2] =	wrdreg s2  }
0xb2: {  	[dreg:$0x3] =	wrdreg s19  }
0xb3: {  	[dreg:$0x4] =	wrdreg s4  }
0xb4: {  	[dreg:$0x5] =	wrdreg s5  }
0xb5: {  	[dreg:$0x6] =	wrdreg $0x81000  }
0xb6: {  	[dreg:$0x7] =	wrdreg $0x9  }
0xb7: {  	_ =	task.clear_ibuf [dreg:s10], $0x8FFFF;
	_ =	strace $0x90000046  }
0xb8: {  	s29 =	simm.s32 $0x9;
	_ =	strace $0x80000048  }
0xb9: {  	_ =	swait.ge [sflag:s29], $0x1  }
0xba: {  	[sflag:s29] =	ssyncadd.s32 $0xFFFFFFFF  }
0xbb: {  	_ =	strace $0x90000048  }
0xbc: {  	_ =	sfence  }
0xbd: {  	s30 =	sld [smem:$0x0];
	_ =	sdelay $0x2  }
0xbe: {  	s31 =	sshll.u32 s1, $0xD;
	s1 =	sshrl.u32 s1, $0x2  }
0xbf: {  	s3 =	sand.u32 $0x4000, s31;
	s1 =	sadd.s32 s1, s30  }
0xc0: {  	s0 =	sor.u32 s3, s0;
	s1 =	sshll.u32 s1, $0x11  }
0xc1: {  	s0 =	sor.u32 s1, s0  }
0xc2: {  	s0 =	sadd.s32 $0x8F2B, s0  }
0xc3: {  	[sflag:s0] =	ssyncadd.remote.s32 $0x1  }
0xc4: {  	_ =	sfence.sel $0xFFFF  }
0xc5: {  	[dreg:$0x0] =	wrdreg $0xFFFFFFFF;
	(pc) =	sbr.abs _section_cstart, $3  }
0xc6: {  	[dreg:$0x1] =	wrdreg $0xFFFFFFFF  }
0xc7: {  	_ =	task.clear_ibuf [dreg:s10], $0x2FFFF;
	_ =	strace $0x9FFFFFFF  }
0xc8: {  	(tm) =	ssettm $0x7FFFFFFF  }
0xc9: {  	_ =	shalt  }
tec
execute0_lowered:
.L_overlay_start_1:
0x0: {  	(tag) =	ssettag $0x1  }
0x1: {  	s1 =	rddreg [dreg:$0x0]  }
0x2: {  	s0 =	rddreg [dreg:$0x1]  }
0x3: {  	s2 =	rddreg [dreg:$0x3]  }
0x4: {  	s4 =	srdreg.scid;
	s5 =	stileid.u32  }
0x5: {  	s3 =	rddreg [dreg:$0x4];
	s28 =	simm.s32 $0x4;
	s29 =	simm.s32 $0x0  }
0x6: {  	s6 =	sand.u32 $0x1, s4;
	s7 =	sshll.u32 s5, $0x1;
	s12 =	smul.u32 $0x2700, s5  }
0x7: {  	s4 =	simm.s32 $0x0;
	s10 =	smul.u32 $0x4E000, s5;
	s23 =	sshll.u32 s5, $0x6  }
0x8: {  	s11 =	sadd.s32 $0x138000, s3;
	s25 =	smul.u32 $0x41000, s5;
	p0 =	sne.s32 s5, $0x0  }
0x9: {  	s7 =	sor.u32 s6, s7;
	[smem:$0x7FF] =	sst s4;
	s13 =	smul.u32 $0x27100, s6  }
0xa: {  	s8 =	ssub.s32 $0x2, s6;
	s14 =	smul.u32 $0x2080, s7;
	_ =	strace $0x80000047  }
0xb: {  	s9 =	sshrl.u32 s8, $0x1;
	s7 =	smul.u32 $0x20800, s7;
	s22 =	sshrl.u32 s10, $0x2  }
0xc: {  	s10 =	sor.u32 $0x1C05, s23;
	s23 =	simm.s32 $0x5;
	s15 =	ssub.s32 s8, s9  }
0xd: {  	s9 =	sadd.s32 s22, s3;
	s12 =	sadd.s32 s12, s13;
	s22 =	simm.s32 $0x4100  }
0xe: {  	s16 =	sshrl.u32 s14, $0x3;
	s7 =	sadd.s32 s1, s7;
	s17 =	sadd.s32 $0x80, s14  }
0xf: {  	s12 =	sadd.s32 s2, s12;
	s26 =	sadd.s32 $0x2000, s14;
	s14 =	smax.u32 s15, $0x1  }
0x10: {  	s8 =	sadd.s32 s0, s16;
	[dreg:$0x7] =	wrdreg s7;
	s16 =	smul.u32 $0x138800, s6  }
0x11: {  	s18 =	sshrl.u32 s17, $0x3;
	s19 =	sshll.u32 s17, $0x4;
	s17 =	smul.u32 $0x4100, s5  }
0x12: {  	s30 =	sshrl.u32 s26, $0x3;
	[dreg:$0x6] =	wrdreg s8;
	s20 =	sadd.s32 s0, s18  }
0x13: {  	s21 =	sadd.s32 s1, s19;
	s18 =	smul.u32 $0x2080, s6;
	[dreg:$0x8] =	wrdreg s20  }
0x14: {  	s6 =	smul.u32 $0x20800, s6;
	s15 =	sadd.s32 s0, s30;
	[dreg:$0x9] =	wrdreg s21  }
0x15: {  	s24 =	sshrl.u32 s16, $0x3;
	s16 =	sadd.s32 s25, s1;
	s20 =	simm.s32 $0x100  }
0x16: {  	s21 =	simm.s32 $0x80;
	s25 =	simm.s32 $0x2;
	s2 =	sadd.s32 s2, s24  }
0x17: {  	s17 =	sadd.s32 s18, s17;
	s6 =	sadd.s32 s6, s16;
	s24 =	simm.s32 $0x1  }
0x18: {  	s13 =	sadd.s32 $0x27000, s2;
	s2 =	sshll.u32 s26, $0x4;
	s18 =	sadd.s32 $0x180, s17  }
0x19: {  	s6 =	sadd.s32 $0x1800, s6;
	s19 =	sadd.s32 $0x100, s17;
	s31 =	sshrl.u32 s18, $0x3  }
0x1a: {  	s26 =	simm.s32 $0x3;
	s16 =	sadd.s32 s1, s2;
	s18 =	sadd.s32 s31, s0  }
.LBB2_1:
0x1b: {  	s1 =	rddreg [dreg:$0x6]  }
0x1c: {  	s17 =	rddreg [dreg:$0x7]  }
0x1d: {  	[tilespmem:s4], [sflag:$0x1] =	stream.linear.gather [hbm4b:s1+s4], $0x80, $0x38;
	[tilespmem:$0x1B980] =	vst v63  }
0x1e: {  	s2 =	rddreg [dreg:$0x8]  }
0x1f: {  	[tilespmem:s20], [sflag:$0x2] =	stream.linear.gather [hbm4b:s17+s4], $0x4000, $0x38;
	[tilespmem:$0x1B980] =	vst v63  }
0x20: {  	s5 =	rddreg [dreg:$0x9]  }
0x21: {  	[tilespmem:s21], [sflag:$0x3] =	stream.linear.gather [hbm4b:s2+s4], $0x80, $0x38;
	[tilespmem:$0x1B980] =	vst v63  }
0x22: {  	s30 =	sshrl.u32 s9, $0x3;
	s1 =	rddreg [dreg:$0x2]  }
0x23: {  	[tilespmem:s22], [sflag:$0x4] =	stream.linear.gather [hbm4b:s5+s4], $0x4000, $0x38;
	[tilespmem:$0x1B980] =	vst v63  }
0x24: {  	[spmem:s30], [sflag:s10] =	dma.local [hbm:s1], $0x2700  }
0x25: {  	_ =	swait.ge [sflag:s23], $0x2700  }
0x26: {  	[sflag:s23] =	ssyncset.done $0x0  }
0x27: {  	s31 =	sshrl.u32 @!p0 s11, $0x3;
	[sflag:s23] =	ssyncadd.s32 $0xFFFFD900  }
0x28: {  	[spmem:s31], [sflag:s10] =	dma.local @!p0 [hbm:s1], $0x100  }
0x29: {  	s1 =	simm.s32 @!p0 $0x5  }
0x2a: {  	_ =	swait.ge @!p0 [sflag:s1], $0x100  }
0x2b: {  	[sflag:s1] =	ssyncset.done @!p0 $0x0  }
0x2c: {  	[sflag:s1] =	ssyncadd.s32 @!p0 $0xFFFFFF00  }
0x2d: {  	[bflag:$0x0] =	sbarrier.arrive $0xFFFF  }
0x2e: {  	_ =	swait.ge [sflag:s24], $0x80  }
0x2f: {  	[sflag:s24] =	ssyncset.done $0x0  }
0x30: {  	[sflag:s24] =	ssyncadd.s32 $0xFFFFFF80  }
0x31: {  	_ =	swait.ge [sflag:s25], $0x4000  }
0x32: {  	[sflag:s25] =	ssyncset.done $0x0  }
0x33: {  	[sflag:s25] =	ssyncadd.s32 $0xFFFFC000  }
0x34: {  	[spmem:s3] =	stream.indirect.scatter.add.f32 [tilespmem:s20], [sflag:$0x5], $0x80, s4, s21, $0xb8;
	[tilespmem:$0x1B980] =	vst v63  }
0x35: {  	_ =	swait.ge [sflag:s23], $0x4000  }
0x36: {  	s7 =	sshrl.u32 s19, $0x3;
	[sflag:s23] =	ssyncset.done $0x0  }
0x37: {  	s1 =	sadd.s32 s0, s7;
	[sflag:s23] =	ssyncadd.s32 $0xFFFFC000  }
0x38: {  	[tilespmem:s4], [sflag:$0x1] =	stream.linear.gather [hbm4b:s1+s4], $0x80, $0x38;
	[tilespmem:$0x1B980] =	vst v63  }
0x39: {  	s8 =	sadd.s32 $0xFFFFF800, s6  }
0x3a: {  	[tilespmem:s20], [sflag:$0x2] =	stream.linear.gather [hbm4b:s8+s4], $0x4000, $0x38;
	[tilespmem:$0x1B980] =	vst v63  }
0x3b: {  	_ =	swait.ge [sflag:s26], $0x80  }
0x3c: {  	[sflag:s26] =	ssyncset.done $0x0  }
0x3d: {  	[sflag:s26] =	ssyncadd.s32 $0xFFFFFF80  }
0x3e: {  	_ =	swait.ge [sflag:s28], $0x4000  }
0x3f: {  	[sflag:s28] =	ssyncset.done $0x0  }
0x40: {  	[sflag:s28] =	ssyncadd.s32 $0xFFFFC000  }
0x41: {  	[spmem:s3] =	stream.indirect.scatter.add.f32 [tilespmem:s22], [sflag:$0x5], $0x80, s21, s21, $0xb8;
	[tilespmem:$0x1B980] =	vst v63  }
0x42: {  	_ =	swait.ge [sflag:s23], $0x4000  }
0x43: {  	[sflag:s23] =	ssyncset.done $0x0  }
0x44: {  	s17 =	sadd.s32 $0x0, s18;
	s2 =	simm.s32 $0x20;
	[sflag:s23] =	ssyncadd.s32 $0xFFFFC000  }
0x45: {  	[tilespmem:s21], [sflag:$0x3] =	stream.linear.gather [hbm4b:s17+s4], $0x80, $0x38;
	[tilespmem:$0x1B980] =	vst v63  }
0x46: {  	s5 =	sadd.s32 $0x100, s19;
	s1 =	sadd.s32 $0x1000, s6;
	s17 =	smov.u32 s6  }
.LBB2_2:
0x47: {  	[tilespmem:s22], [sflag:$0x4] =	stream.linear.gather [hbm4b:s17+s4], $0x4000, $0x38;
	[tilespmem:$0x1B980] =	vst v63  }
0x48: {  	s7 =	smov.u32 s2;
	s17 =	smov.u32 s1  }
0x49: {  	p1 =	sne.s32 s2, $0x3C0;
	s2 =	sadd.s32 $0x20, s2;
	_ =	swait.ge [sflag:s24], $0x80  }
0x4a: {  	[sflag:s24] =	ssyncset.done $0x0  }
0x4b: {  	[sflag:s24] =	ssyncadd.s32 $0xFFFFFF80  }
0x4c: {  	_ =	swait.ge [sflag:s25], $0x4000  }
0x4d: {  	[sflag:s25] =	ssyncset.done $0x0  }
0x4e: {  	[sflag:s25] =	ssyncadd.s32 $0xFFFFC000  }
0x4f: {  	[spmem:s3] =	stream.indirect.scatter.add.f32 [tilespmem:s20], [sflag:$0x5], $0x80, s4, s21, $0xb8;
	[tilespmem:$0x1B980] =	vst v63  }
0x50: {  	_ =	swait.ge [sflag:s23], $0x4000  }
0x51: {  	s8 =	sshrl.u32 s5, $0x3;
	[sflag:s23] =	ssyncset.done $0x0  }
0x52: {  	s8 =	sadd.s32 s0, s8;
	[sflag:s23] =	ssyncadd.s32 $0xFFFFC000  }
0x53: {  	[tilespmem:s4], [sflag:$0x1] =	stream.linear.gather [hbm4b:s8+s4], $0x80, $0x38;
	[tilespmem:$0x1B980] =	vst v63  }
0x54: {  	s8 =	sadd.s32 $0xFFFFF800, s1  }
0x55: {  	[tilespmem:s20], [sflag:$0x2] =	stream.linear.gather [hbm4b:s8+s4], $0x4000, $0x38;
	[tilespmem:$0x1B980] =	vst v63  }
0x56: {  	_ =	swait.ge [sflag:s26], $0x80  }
0x57: {  	[sflag:s26] =	ssyncset.done $0x0  }
0x58: {  	[sflag:s26] =	ssyncadd.s32 $0xFFFFFF80  }
0x59: {  	_ =	swait.ge [sflag:s28], $0x4000  }
0x5a: {  	[sflag:s28] =	ssyncset.done $0x0  }
0x5b: {  	[sflag:s28] =	ssyncadd.s32 $0xFFFFC000  }
0x5c: {  	[spmem:s3] =	stream.indirect.scatter.add.f32 [tilespmem:s22], [sflag:$0x5], $0x80, s21, s21, $0xb8;
	[tilespmem:$0x1B980] =	vst v63  }
.Ltmp0:
0x5d: {  	_ =	swait.ge [sflag:s23], $0x4000;
	(pc) =	sbr.rel @p1 .LBB2_2-.Ltmp0, $4  }
0x5e: {  	[sflag:s23] =	ssyncset.done $0x0  }
0x5f: {  	s7 =	sadd.s32 s7, s18;
	[sflag:s23] =	ssyncadd.s32 $0xFFFFC000  }
0x60: {  	[tilespmem:s21], [sflag:$0x3] =	stream.linear.gather [hbm4b:s7+s4], $0x80, $0x38;
	[tilespmem:$0x1B980] =	vst v63  }
0x61: {  	s5 =	sadd.s32 $0x100, s5;
	s1 =	sadd.s32 $0x1000, s1  }
0x62: {  	[tilespmem:s22], [sflag:$0x4] =	stream.linear.gather [hbm4b:s17+s4], $0x4000, $0x38;
	[tilespmem:$0x1B980] =	vst v63  }
0x63: {  	_ =	swait.ge [sflag:s24], $0x80  }
0x64: {  	[sflag:s24] =	ssyncset.done $0x0  }
0x65: {  	[sflag:s24] =	ssyncadd.s32 $0xFFFFFF80  }
0x66: {  	_ =	swait.ge [sflag:s25], $0x4000  }
0x67: {  	[sflag:s25] =	ssyncset.done $0x0  }
0x68: {  	[sflag:s25] =	ssyncadd.s32 $0xFFFFC000  }
0x69: {  	[spmem:s3] =	stream.indirect.scatter.add.f32 [tilespmem:s20], [sflag:$0x5], $0x80, s4, s21, $0xb8;
	[tilespmem:$0x1B980] =	vst v63  }
0x6a: {  	_ =	swait.ge [sflag:s23], $0x4000  }
0x6b: {  	[sflag:s23] =	ssyncset.done $0x0  }
0x6c: {  	[sflag:s23] =	ssyncadd.s32 $0xFFFFC000  }
0x6d: {  	[tilespmem:s4], [sflag:$0x1] =	stream.linear.gather [hbm4b:s15+s4], $0x80, $0x38;
	[tilespmem:$0x1B980] =	vst v63  }
0x6e: {  	_ = 	snop  }
0x6f: {  	[tilespmem:s20], [sflag:$0x2] =	stream.linear.gather [hbm4b:s16+s4], $0x4000, $0x38;
	[tilespmem:$0x1B980] =	vst v63  }
0x70: {  	_ =	swait.ge [sflag:s26], $0x80  }
0x71: {  	[sflag:s26] =	ssyncset.done $0x0  }
0x72: {  	[sflag:s26] =	ssyncadd.s32 $0xFFFFFF80  }
0x73: {  	_ =	swait.ge [sflag:s28], $0x4000  }
0x74: {  	[sflag:s28] =	ssyncset.done $0x0  }
0x75: {  	[sflag:s28] =	ssyncadd.s32 $0xFFFFC000  }
0x76: {  	[spmem:s3] =	stream.indirect.scatter.add.f32 [tilespmem:s22], [sflag:$0x5], $0x80, s21, s21, $0xb8;
	[tilespmem:$0x1B980] =	vst v63  }
0x77: {  	_ =	swait.ge [sflag:s23], $0x4000  }
0x78: {  	[sflag:s23] =	ssyncset.done $0x0  }
0x79: {  	[sflag:s23] =	ssyncadd.s32 $0xFFFFC000  }
0x7a: {  	_ =	swait.ge [sflag:s24], $0x80  }
0x7b: {  	[sflag:s24] =	ssyncset.done $0x0  }
0x7c: {  	[sflag:s24] =	ssyncadd.s32 $0xFFFFFF80  }
0x7d: {  	_ =	swait.ge [sflag:s25], $0x4000  }
0x7e: {  	[sflag:s25] =	ssyncset.done $0x0  }
0x7f: {  	[sflag:s25] =	ssyncadd.s32 $0xFFFFC000  }
0x80: {  	[spmem:s3] =	stream.indirect.scatter.add.f32 [tilespmem:s20], [sflag:$0x5], $0x80, s4, s21, $0xb8;
	[tilespmem:$0x1B980] =	vst v63  }
0x81: {  	_ =	swait.ge [sflag:s23], $0x4000  }
0x82: {  	[sflag:s23] =	ssyncset.done $0x0  }
0x83: {  	[sflag:s23] =	ssyncadd.s32 $0xFFFFC000  }
0x84: {  	[bflag:$0x0] =	sbarrier.arrive $0xFFFF  }
0x85: {  	[hbm:s12], [sflag:s10] =	dma.local [spmem:s30], $0x2700  }
0x86: {  	s29 =	sadd.s32 $0x1, s29;
	_ =	swait.ge [sflag:s23], $0x2700  }
0x87: {  	p1 =	sne.s32 s29, s14;
	[sflag:s23] =	ssyncset.done $0x0  }
.Ltmp1:
0x88: {  	s1 =	simm.s32 @!p0 $0x5;
	[sflag:s23] =	ssyncadd.s32 $0xFFFFD900;
	(pc) =	sbr.rel @p1 .LBB2_1-.Ltmp1, $4  }
0x89: {  	[hbm:s13], [sflag:s10] =	dma.local @!p0 [spmem:s31], $0x100  }
0x8a: {  	_ =	swait.ge @!p0 [sflag:s1], $0x100  }
0x8b: {  	[sflag:s1] =	ssyncset.done @!p0 $0x0  }
0x8c: {  	[sflag:s1] =	ssyncadd.s32 @!p0 $0xFFFFFF00  }
0x8d: {  	_ =	sfence.sel $0x180000  }
0x8e: {  	[bflag:$0x0] =	sbarrier.arrive $0xFFFF  }
0x8f: {  	_ =	strace $0x90000047  }
0x90: {  	[bflag:$0x2] =	sbarrier.arrive $0xFFFF  }
0x91: {  	s0 =	rddreg [dreg:$0x5]  }
0x92: {  	s0 =	sadd.s32 @!p0 $0x100000, s0  }
0x93: {  	[sflag:s0] =	ssyncadd.tile.s32 @!p0 $0x1;
	_ =	shalt  }
.Lfunc_end2:
_tile_overlayer_lowered:
.L_overlay_start_2:
0x94: {  	(tag) =	ssettag $0x2  }
0x95: {  	s0 =	rddreg [dreg:$0x0];
	s2 =	stileid.u32  }
0x96: {  	s1 =	rddreg [dreg:$0x1];
	p0 =	sne.s32 s2, $0x0  }
0x97: {  	s3 =	rddreg [dreg:$0x2];
	[bflag:$0x3] =	sbarrier.arrive $0xFFFF;
	s2 =	simm.s32 @!p0 $0x1C05  }
0x98: {  	[timem:s3], [sflag:s2] =	dma.local @!p0 [hbm:s0], s1  }
0x99: {  	s0 =	simm.s32 @!p0 $0x5  }
0x9a: {  	_ =	swait.ge @!p0 [sflag:s0], s1  }
0x9b: {  	s1 =	ssub.s32 @!p0 $0x0, s1;
	[sflag:s0] =	ssyncset.done @!p0 $0x0  }
0x9c: {  	[sflag:s0] =	ssyncadd.s32 @!p0 s1  }
0x9d: {  	[bflag:$0x3] =	sbarrier.arrive $0xFFFF  }
0x9e: {  	_ =	shalt  }

</sc_bundles>
